<compile_context>
chip_gen: v7x
topology: tpu7x:2x2x1
jax: 0.10.2.dev20260603
libtpu: 0.0.44.dev20260713+nightly
codegen_flags: <defaults>
</compile_context>

<pallas_src>
import functools

import jax
import jax.numpy as jnp
from jax import lax
from jax.experimental import pallas as pl
from jax.experimental.pallas import tpu as pltpu
from jax.experimental.pallas import tpu_sc as plsc

_NUM_EMB = 1000000
_DIM = 32
_BATCH = 4096
_SEQ = 200
_B = _BATCH * _SEQ


_CCH = 8192
_UG = (_NUM_EMB + _CCH - 1) // _CCH
_PROWS = _UG * (_CCH // 4)


def _untile_body(wt_ref, out_ref):
    for p in range(4):
        x = wt_ref[:, p * (_CCH // 4):(p + 1) * (_CCH // 4)]
        out_ref[:, p * _DIM:(p + 1) * _DIM] = jnp.transpose(x, (1, 0))


_untile = pl.pallas_call(
    _untile_body,
    grid=(_UG,),
    in_specs=[pl.BlockSpec((_DIM, _CCH), lambda j: (0, j))],
    out_specs=pl.BlockSpec((_CCH // 4, 128), lambda j: (j, 0)),
    out_shape=jax.ShapeDtypeStruct((_PROWS, 128), jnp.float32),
)


_info = plsc.get_sparse_core_info()
_NC, _NS = _info.num_cores, _info.num_subcores
_NW = _NC * _NS
_BPW = _B // _NW
_CH = 1280
_NCH = _BPW // _CH
_NVEC = _BPW // 16

_mesh = plsc.VectorSubcoreMesh(core_axis_name="c", subcore_axis_name="s")


@functools.partial(
    pl.kernel,
    mesh=_mesh,
    out_type=jax.ShapeDtypeStruct((_B, _DIM), jnp.float32),
    scratch_types=[
        pltpu.VMEM((_NCH, _CH), jnp.int32),
        pltpu.VMEM((_CH, _DIM), jnp.float32),
        pltpu.VMEM((_CH, _DIM), jnp.float32),
        pltpu.SemaphoreType.DMA,
        pltpu.SemaphoreType.DMA,
        pltpu.SemaphoreType.DMA,
        pltpu.SemaphoreType.DMA,
    ],
    compiler_params=pltpu.CompilerParams(
        use_tc_tiling_on_sc=False, needs_layout_passes=False
    ),
)
def _gather_sc(table_hbm, idx_hbm, out_hbm, idx_v, rows0, rows1,
               semg0, semg1, sems0, sems1):
    wid = lax.axis_index("s") * _NC + lax.axis_index("c")
    base = wid * _BPW
    rows = (rows0, rows1)
    semg = (semg0, semg1)
    sems = (sems0, sems1)

    pltpu.sync_copy(idx_hbm.at[wid], idx_v)

    @pl.loop(0, _NVEC, step=1)
    def _xform(i):
        si = i // (_CH // 16)
        v = i % (_CH // 16)
        r = idx_v[si, pl.ds(v * 16, 16)]
        m = ((r & jnp.int32(~8191)) | ((r & jnp.int32(2047)) << 2)
             | ((r >> 11) & jnp.int32(3)))
        idx_v[si, pl.ds(v * 16, 16)] = m

    def fire_g(t, buf):
        pltpu.async_copy(table_hbm.at[idx_v.at[t]], rows[buf], semg[buf])

    def drain_g(buf):
        pltpu.make_async_copy(
            table_hbm.at[pl.ds(0, _CH)], rows[buf], semg[buf]
        ).wait()

    def fire_s(t, buf):
        pltpu.async_copy(
            rows[buf], out_hbm.at[pl.ds(base + t * _CH, _CH)], sems[buf]
        )

    def drain_s(buf):
        pltpu.make_async_copy(
            rows[buf], out_hbm.at[pl.ds(0, _CH)], sems[buf]
        ).wait()

    fire_g(0, 0)
    drain_g(0)
    fire_s(0, 0)
    fire_g(1, 1)

    @pl.loop(1, _NCH - 1, step=2)
    def _steady(t0):
        for d_ in range(2):
            t = t0 + d_
            buf = (1 + d_) % 2
            nbuf = 1 - buf
            drain_g(buf)
            fire_s(t, buf)
            drain_s(nbuf)
            fire_g(t + 1, nbuf)

    drain_g(1)
    fire_s(_NCH - 1, 1)
    drain_s(0)
    drain_s(1)


def kernel(input_ids, weight):
    table_lin = _untile(weight.T).reshape(_PROWS * 4, _DIM)
    idx = input_ids.reshape(_NW, _NCH, _CH)
    out = _gather_sc(table_lin, idx)
    return out.reshape(_BATCH, _SEQ, _DIM)

# --- scband reference (transcript-rebuilt; emitter-appended) ---
"""Pipeline reference for scband-frozen-embedding-32435593019910 (READ-ONLY COPY).

The authoritative reference and input builder live on the scoring server;
editing this copy changes nothing except your own understanding.
"""

import jax, jax.numpy as jnp
import numpy as np

NUM_EMBEDDINGS = 1000000
EMBEDDING_DIM = 32
PADDING_IDX = 0
BATCH = 4096
SEQ = 200


def setup_inputs(seed: int = 0) -> dict:
    key = jax.random.key(seed)
    k1, k2 = jax.random.split(key)
    input_ids = jax.random.randint(k1, (BATCH, SEQ), 0, NUM_EMBEDDINGS, dtype=jnp.int64 if jax.config.jax_enable_x64 else jnp.int32)
    weight = jax.random.normal(k2, (NUM_EMBEDDINGS, EMBEDDING_DIM), dtype=jnp.float32)
    # padding_idx row is zeroed, mirroring nn.Embedding(padding_idx=0) initialization
    weight = weight.at[PADDING_IDX].set(0.0)
    return {"input_ids": input_ids, "weight": weight}


def reference(input_ids, weight):
    # F.embedding(input_ids, weight, padding_idx, None, 2.0, False, False)
    # with max_norm=None and sparse=False is a plain row gather.
    # torch.no_grad() in the original forward -> no autodiff through weight.
    return jnp.take(weight, input_ids, axis=0)

if __name__ == "__main__":
    import jax
    _d = setup_inputs()
    print(jax.jit(kernel)(*tuple(_d.values())))

</pallas_src>

<mosaic_0001>
#map = affine_map<(d0, d1) -> (0, 0)>
#map1 = affine_map<(d0, d1) -> (0, 0, 0)>
module attributes {stable_mosaic.version = 14 : i64} {
  func.func @_gather_sc(%arg0: i32, %arg1: i32, %arg2: memref<1007616x32xf32, #tpu.memory_space<hbm>>, %arg3: memref<32x20x1280xi32, #tpu.memory_space<hbm>>, %arg4: memref<819200x32xf32, #tpu.memory_space<hbm>>, %arg5: memref<20x1280xi32, #tpu.memory_space<vmem>>, %arg6: memref<1280x32xf32, #tpu.memory_space<vmem>>, %arg7: memref<1280x32xf32, #tpu.memory_space<vmem>>, %arg8: memref<!tpu.dma_semaphore, #tpu.memory_space<semaphore_mem>>, %arg9: memref<!tpu.dma_semaphore, #tpu.memory_space<semaphore_mem>>, %arg10: memref<!tpu.dma_semaphore, #tpu.memory_space<semaphore_mem>>, %arg11: memref<!tpu.dma_semaphore, #tpu.memory_space<semaphore_mem>>) attributes {dimension_semantics = [#tpu.dimension_semantics<core_parallel>, #tpu.dimension_semantics<subcore_parallel>], iteration_bounds = array<i64: 2, 16>, scalar_prefetch = 0 : i64, scratch_operands = 7 : i64, tpu.core_type = #tpu.core_type<sc_vector_subcore>, window_params = [{transform_indices = #map}, {transform_indices = #map1}, {transform_indices = #map}]} {
    %mul3A = arith.constant 2 : i32
    %mul3A_0 = arith.muli %arg1, %mul3A : i32
    %add3A = arith.addi %mul3A_0, %arg0 : i32
    %mul3A_1 = arith.constant 25600 : i32
    %mul3A_2 = arith.muli %add3A, %mul3A_1 : i32
    "tpu.region"() ({
      %run_scoped3A = tpu.sem_alloc : memref<!tpu.dma_semaphore, #tpu.memory_space<semaphore_mem>>
      %dma_start3A_60 = arith.constant 0 : i32
      %dma_start3A_61 = arith.constant 0 : i32
      %dma_start3A_62 = tpu.memref_slice %arg3[%add3A, %dma_start3A_60, %dma_start3A_61] : memref<32x20x1280xi32, #tpu.memory_space<hbm>> -> memref<1x20x1280xi32, #tpu.memory_space<hbm>>
      %dma_start3A_63 = tpu.memref_squeeze %dma_start3A_62 : memref<1x20x1280xi32, #tpu.memory_space<hbm>> -> memref<20x1280xi32, #tpu.memory_space<hbm>>
      %dma_start3A_64 = arith.constant 0 : i32
      %dma_start3A_65 = arith.constant 0 : i32
      %dma_start3A_66 = tpu.memref_slice %arg3[%add3A, %dma_start3A_64, %dma_start3A_65] : memref<32x20x1280xi32, #tpu.memory_space<hbm>> -> memref<1x20x1280xi32, #tpu.memory_space<hbm>>
      %dma_start3A_67 = tpu.memref_squeeze %dma_start3A_66 : memref<1x20x1280xi32, #tpu.memory_space<hbm>> -> memref<20x1280xi32, #tpu.memory_space<hbm>>
      tpu.enqueue_dma source(%dma_start3A_67 : memref<20x1280xi32, #tpu.memory_space<hbm>>) target(%arg5 : memref<20x1280xi32, #tpu.memory_space<vmem>>) target_semaphore(%run_scoped3A : memref<!tpu.dma_semaphore, #tpu.memory_space<semaphore_mem>>)
      %dma_wait3A_68 = arith.constant 0 : i32
      %dma_wait3A_69 = arith.constant 0 : i32
      %dma_wait3A_70 = tpu.memref_slice %arg3[%add3A, %dma_wait3A_68, %dma_wait3A_69] : memref<32x20x1280xi32, #tpu.memory_space<hbm>> -> memref<1x20x1280xi32, #tpu.memory_space<hbm>>
      %dma_wait3A_71 = tpu.memref_squeeze %dma_wait3A_70 : memref<1x20x1280xi32, #tpu.memory_space<hbm>> -> memref<20x1280xi32, #tpu.memory_space<hbm>>
      %dma_wait3A_72 = arith.constant 0 : i32
      %dma_wait3A_73 = arith.constant 0 : i32
      %dma_wait3A_74 = tpu.memref_slice %arg3[%add3A, %dma_wait3A_72, %dma_wait3A_73] : memref<32x20x1280xi32, #tpu.memory_space<hbm>> -> memref<1x20x1280xi32, #tpu.memory_space<hbm>>
      %dma_wait3A_75 = tpu.memref_squeeze %dma_wait3A_74 : memref<1x20x1280xi32, #tpu.memory_space<hbm>> -> memref<20x1280xi32, #tpu.memory_space<hbm>>
      tpu.wait_dma2 semaphore(%run_scoped3A : memref<!tpu.dma_semaphore, #tpu.memory_space<semaphore_mem>>) src(%dma_wait3A_75 : memref<20x1280xi32, #tpu.memory_space<hbm>>) dst(%arg5 : memref<20x1280xi32, #tpu.memory_space<vmem>>)
      tpu.yield
    }) : () -> ()
    %scan3A = arith.constant 0 : i32
    %scan3A_3 = arith.constant 1600 : i32
    %scan3A_4 = arith.addi %scan3A, %scan3A_3 : i32
    %scan3A_5 = arith.constant 1 : i32
    scf.for %scan3A_60 = %scan3A to %scan3A_4 step %scan3A_5  : i32 {
      %mul3A_61 = arith.constant 1 : i32
      %mul3A_62 = arith.muli %scan3A_60, %mul3A_61 : i32
      %add3A_63 = arith.constant 0 : i32
      %add3A_64 = arith.addi %add3A_63, %mul3A_62 : i32
      %jit3A = arith.constant 80 : i32
      %div3A = arith.divsi %add3A_64, %jit3A : i32
      %sign3A = arith.constant 0 : i32
      %sign3A_65 = arith.cmpi sgt, %add3A_64, %sign3A : i32
      %sign3A_66 = arith.extui %sign3A_65 : i1 to i32
      %sign3A_67 = arith.constant 0 : i32
      %sign3A_68 = arith.cmpi slt, %add3A_64, %sign3A_67 : i32
      %sign3A_69 = arith.extui %sign3A_68 : i1 to i32
      %sign3A_70 = arith.subi %sign3A_66, %sign3A_69 : i32
      %sign3A_71 = arith.constant 0 : i32
      %sign3A_72 = arith.cmpi sgt, %jit3A, %sign3A_71 : i32
      %sign3A_73 = arith.extui %sign3A_72 : i1 to i32
      %sign3A_74 = arith.constant 0 : i32
      %sign3A_75 = arith.cmpi slt, %jit3A, %sign3A_74 : i32
      %sign3A_76 = arith.extui %sign3A_75 : i1 to i32
      %sign3A_77 = arith.subi %sign3A_73, %sign3A_76 : i32
      %ne3A = arith.cmpi ne, %sign3A_70, %sign3A_77 : i32
      %rem3A = arith.remsi %add3A_64, %jit3A : i32
      %ne3A_78 = arith.constant 0 : i32
      %ne3A_79 = arith.cmpi ne, %rem3A, %ne3A_78 : i32
      %and3A = arith.andi %ne3A, %ne3A_79 : i1
      %sub3A = arith.constant 1 : i32
      %sub3A_80 = arith.subi %div3A, %sub3A : i32
      %select_n3A = arith.select %and3A, %sub3A_80, %div3A : i32
      %jit3A_81 = arith.constant 80 : i32
      %eq3A = arith.constant 0 : i32
      %eq3A_82 = arith.cmpi eq, %jit3A_81, %eq3A : i32
      %jit3A_83 = arith.constant 1 : i32
      %select_n3A_84 = arith.select %eq3A_82, %jit3A_83, %jit3A_81 : i32
      %rem3A_85 = arith.remsi %add3A_64, %select_n3A_84 : i32
      %ne3A_86 = arith.constant 0 : i32
      %ne3A_87 = arith.cmpi ne, %rem3A_85, %ne3A_86 : i32
      %lt3A = arith.constant 0 : i32
      %lt3A_88 = arith.cmpi slt, %rem3A_85, %lt3A : i32
      %lt3A_89 = arith.constant 0 : i32
      %lt3A_90 = arith.cmpi slt, %select_n3A_84, %lt3A_89 : i32
      %ne3A_91 = arith.xori %lt3A_88, %lt3A_90 : i1
      %and3A_92 = arith.andi %ne3A_91, %ne3A_87 : i1
      %add3A_93 = arith.addi %rem3A_85, %select_n3A_84 : i32
      %select_n3A_94 = arith.select %and3A_92, %add3A_93, %rem3A_85 : i32
      %mul3A_95 = arith.constant 16 : i32
      %mul3A_96 = arith.muli %select_n3A_94, %mul3A_95 : i32
      %get3A = arith.index_cast %select_n3A : i32 to index
      %get3A_97 = arith.index_cast %mul3A_96 : i32 to index
      %get3A_98 = tpu.vector_load %arg5[%get3A, %get3A_97] {strides = array<i32>} : memref<20x1280xi32, #tpu.memory_space<vmem>>, vector<16xi32>,
      %and3A_99 = arith.constant -8192 : i32
      %and3A_100 = vector.broadcast %and3A_99 : i32 to vector<16xi32>
      %and3A_101 = arith.andi %get3A_98, %and3A_100 : vector<16xi32>
      %and3A_102 = arith.constant 2047 : i32
      %and3A_103 = vector.broadcast %and3A_102 : i32 to vector<16xi32>
      %and3A_104 = arith.andi %get3A_98, %and3A_103 : vector<16xi32>
      %shift_left3A = arith.constant 2 : i32
      %shift_left3A_105 = vector.broadcast %shift_left3A : i32 to vector<16xi32>
      %shift_left3A_106 = arith.shli %and3A_104, %shift_left3A_105 : vector<16xi32>
      %or3A = arith.ori %and3A_101, %shift_left3A_106 : vector<16xi32>
      %shift_right_arithmetic3A = arith.constant 11 : i32
      %shift_right_arithmetic3A_107 = vector.broadcast %shift_right_arithmetic3A : i32 to vector<16xi32>
      %shift_right_arithmetic3A_108 = arith.shrsi %get3A_98, %shift_right_arithmetic3A_107 : vector<16xi32>
      %and3A_109 = arith.constant 3 : i32
      %and3A_110 = vector.broadcast %and3A_109 : i32 to vector<16xi32>
      %and3A_111 = arith.andi %shift_right_arithmetic3A_108, %and3A_110 : vector<16xi32>
      %or3A_112 = arith.ori %or3A, %and3A_111 : vector<16xi32>
      %mul3A_113 = arith.constant 16 : i32
      %mul3A_114 = arith.muli %select_n3A_94, %mul3A_113 : i32
      %swap3A = arith.index_cast %select_n3A : i32 to index
      %swap3A_115 = arith.index_cast %mul3A_114 : i32 to index
      %swap3A_116 = tpu.vector_load %arg5[%swap3A, %swap3A_115] {strides = array<i32>} : memref<20x1280xi32, #tpu.memory_space<vmem>>, vector<16xi32>,
      tpu.vector_store %arg5[%swap3A, %swap3A_115], %or3A_112 {strides = array<i32>} : memref<20x1280xi32, #tpu.memory_space<vmem>>, vector<16xi32>,
    }
    %scan3A_6 = arith.constant 1600 : i32
    %dma_start3A = arith.constant 0 : i32
    %dma_start3A_7 = arith.constant 0 : i32
    %dma_start3A_8 = tpu.memref_slice %arg5[%dma_start3A, %dma_start3A_7] : memref<20x1280xi32, #tpu.memory_space<vmem>> -> memref<1x1280xi32, #tpu.memory_space<vmem>>
    %dma_start3A_9 = tpu.memref_squeeze %dma_start3A_8 : memref<1x1280xi32, #tpu.memory_space<vmem>> -> memref<1280xi32, #tpu.memory_space<vmem>>
    %dma_start3A_10 = arith.constant 0 : i32
    %dma_start3A_11 = arith.constant 0 : i32
    %dma_start3A_12 = tpu.memref_slice %arg2[%dma_start3A_10, %dma_start3A_11] : memref<1007616x32xf32, #tpu.memory_space<hbm>> -> memref<1007616x32xf32, #tpu.memory_space<hbm>>
    tpu.enqueue_indirect_dma source(%dma_start3A_12 : memref<1007616x32xf32, #tpu.memory_space<hbm>>) target(%arg6 : memref<1280x32xf32, #tpu.memory_space<vmem>>) offsets(%dma_start3A_9 : memref<1280xi32, #tpu.memory_space<vmem>>) semaphore(%arg8 : memref<!tpu.dma_semaphore, #tpu.memory_space<semaphore_mem>>)
    %dma_wait3A = arith.constant 0 : i32
    %dma_wait3A_13 = arith.constant 0 : i32
    %dma_wait3A_14 = tpu.memref_slice %arg2[%dma_wait3A, %dma_wait3A_13] : memref<1007616x32xf32, #tpu.memory_space<hbm>> -> memref<1280x32xf32, #tpu.memory_space<hbm>>
    %dma_wait3A_15 = arith.constant 0 : i32
    %dma_wait3A_16 = arith.constant 0 : i32
    %dma_wait3A_17 = tpu.memref_slice %arg2[%dma_wait3A_15, %dma_wait3A_16] : memref<1007616x32xf32, #tpu.memory_space<hbm>> -> memref<1280x32xf32, #tpu.memory_space<hbm>>
    tpu.wait_dma2 semaphore(%arg8 : memref<!tpu.dma_semaphore, #tpu.memory_space<semaphore_mem>>) src(%dma_wait3A_17 : memref<1280x32xf32, #tpu.memory_space<hbm>>) dst(%arg6 : memref<1280x32xf32, #tpu.memory_space<vmem>>)
    %add3A_18 = arith.constant 0 : i32
    %add3A_19 = arith.addi %mul3A_2, %add3A_18 : i32
    %dma_start3A_20 = arith.constant 0 : i32
    %dma_start3A_21 = tpu.memref_slice %arg4[%add3A_19, %dma_start3A_20] : memref<819200x32xf32, #tpu.memory_space<hbm>> -> memref<1280x32xf32, #tpu.memory_space<hbm>>
    %dma_start3A_22 = arith.constant 0 : i32
    %dma_start3A_23 = tpu.memref_slice %arg4[%add3A_19, %dma_start3A_22] : memref<819200x32xf32, #tpu.memory_space<hbm>> -> memref<1280x32xf32, #tpu.memory_space<hbm>>
    tpu.enqueue_dma source(%arg6 : memref<1280x32xf32, #tpu.memory_space<vmem>>) target(%dma_start3A_23 : memref<1280x32xf32, #tpu.memory_space<hbm>>) target_semaphore(%arg10 : memref<!tpu.dma_semaphore, #tpu.memory_space<semaphore_mem>>)
    %dma_start3A_24 = arith.constant 1 : i32
    %dma_start3A_25 = arith.constant 0 : i32
    %dma_start3A_26 = tpu.memref_slice %arg5[%dma_start3A_24, %dma_start3A_25] : memref<20x1280xi32, #tpu.memory_space<vmem>> -> memref<1x1280xi32, #tpu.memory_space<vmem>>
    %dma_start3A_27 = tpu.memref_squeeze %dma_start3A_26 : memref<1x1280xi32, #tpu.memory_space<vmem>> -> memref<1280xi32, #tpu.memory_space<vmem>>
    %dma_start3A_28 = arith.constant 0 : i32
    %dma_start3A_29 = arith.constant 0 : i32
    %dma_start3A_30 = tpu.memref_slice %arg2[%dma_start3A_28, %dma_start3A_29] : memref<1007616x32xf32, #tpu.memory_space<hbm>> -> memref<1007616x32xf32, #tpu.memory_space<hbm>>
    tpu.enqueue_indirect_dma source(%dma_start3A_30 : memref<1007616x32xf32, #tpu.memory_space<hbm>>) target(%arg7 : memref<1280x32xf32, #tpu.memory_space<vmem>>) offsets(%dma_start3A_27 : memref<1280xi32, #tpu.memory_space<vmem>>) semaphore(%arg9 : memref<!tpu.dma_semaphore, #tpu.memory_space<semaphore_mem>>)
    %scan3A_31 = arith.constant 0 : i32
    %scan3A_32 = arith.constant 9 : i32
    %scan3A_33 = arith.addi %scan3A_31, %scan3A_32 : i32
    %scan3A_34 = arith.constant 1 : i32
    scf.for %scan3A_60 = %scan3A_31 to %scan3A_33 step %scan3A_34  : i32 {
      %mul3A_61 = arith.constant 2 : i32
      %mul3A_62 = arith.muli %scan3A_60, %mul3A_61 : i32
      %add3A_63 = arith.constant 1 : i32
      %add3A_64 = arith.addi %add3A_63, %mul3A_62 : i32
      %add3A_65 = arith.constant 0 : i32
      %add3A_66 = arith.addi %add3A_64, %add3A_65 : i32
      %dma_wait3A_67 = arith.constant 0 : i32
      %dma_wait3A_68 = arith.constant 0 : i32
      %dma_wait3A_69 = tpu.memref_slice %arg2[%dma_wait3A_67, %dma_wait3A_68] : memref<1007616x32xf32, #tpu.memory_space<hbm>> -> memref<1280x32xf32, #tpu.memory_space<hbm>>
      %dma_wait3A_70 = arith.constant 0 : i32
      %dma_wait3A_71 = arith.constant 0 : i32
      %dma_wait3A_72 = tpu.memref_slice %arg2[%dma_wait3A_70, %dma_wait3A_71] : memref<1007616x32xf32, #tpu.memory_space<hbm>> -> memref<1280x32xf32, #tpu.memory_space<hbm>>
      tpu.wait_dma2 semaphore(%arg9 : memref<!tpu.dma_semaphore, #tpu.memory_space<semaphore_mem>>) src(%dma_wait3A_72 : memref<1280x32xf32, #tpu.memory_space<hbm>>) dst(%arg7 : memref<1280x32xf32, #tpu.memory_space<vmem>>)
      %mul3A_73 = arith.constant 1280 : i32
      %mul3A_74 = arith.muli %add3A_66, %mul3A_73 : i32
      %add3A_75 = arith.addi %mul3A_2, %mul3A_74 : i32
      %dma_start3A_76 = arith.constant 0 : i32
      %dma_start3A_77 = tpu.memref_slice %arg4[%add3A_75, %dma_start3A_76] : memref<819200x32xf32, #tpu.memory_space<hbm>> -> memref<1280x32xf32, #tpu.memory_space<hbm>>
      %dma_start3A_78 = arith.constant 0 : i32
      %dma_start3A_79 = tpu.memref_slice %arg4[%add3A_75, %dma_start3A_78] : memref<819200x32xf32, #tpu.memory_space<hbm>> -> memref<1280x32xf32, #tpu.memory_space<hbm>>
      tpu.enqueue_dma source(%arg7 : memref<1280x32xf32, #tpu.memory_space<vmem>>) target(%dma_start3A_79 : memref<1280x32xf32, #tpu.memory_space<hbm>>) target_semaphore(%arg11 : memref<!tpu.dma_semaphore, #tpu.memory_space<semaphore_mem>>)
      %dma_wait3A_80 = arith.constant 0 : i32
      %dma_wait3A_81 = arith.constant 0 : i32
      %dma_wait3A_82 = tpu.memref_slice %arg4[%dma_wait3A_80, %dma_wait3A_81] : memref<819200x32xf32, #tpu.memory_space<hbm>> -> memref<1280x32xf32, #tpu.memory_space<hbm>>
      %dma_wait3A_83 = arith.constant 0 : i32
      %dma_wait3A_84 = arith.constant 0 : i32
      %dma_wait3A_85 = tpu.memref_slice %arg4[%dma_wait3A_83, %dma_wait3A_84] : memref<819200x32xf32, #tpu.memory_space<hbm>> -> memref<1280x32xf32, #tpu.memory_space<hbm>>
      tpu.wait_dma2 semaphore(%arg10 : memref<!tpu.dma_semaphore, #tpu.memory_space<semaphore_mem>>) src(%arg6 : memref<1280x32xf32, #tpu.memory_space<vmem>>) dst(%dma_wait3A_85 : memref<1280x32xf32, #tpu.memory_space<hbm>>)
      %add3A_86 = arith.constant 1 : i32
      %add3A_87 = arith.addi %add3A_66, %add3A_86 : i32
      %dma_start3A_88 = arith.constant 0 : i32
      %dma_start3A_89 = tpu.memref_slice %arg5[%add3A_87, %dma_start3A_88] : memref<20x1280xi32, #tpu.memory_space<vmem>> -> memref<1x1280xi32, #tpu.memory_space<vmem>>
      %dma_start3A_90 = tpu.memref_squeeze %dma_start3A_89 : memref<1x1280xi32, #tpu.memory_space<vmem>> -> memref<1280xi32, #tpu.memory_space<vmem>>
      %dma_start3A_91 = arith.constant 0 : i32
      %dma_start3A_92 = arith.constant 0 : i32
      %dma_start3A_93 = tpu.memref_slice %arg2[%dma_start3A_91, %dma_start3A_92] : memref<1007616x32xf32, #tpu.memory_space<hbm>> -> memref<1007616x32xf32, #tpu.memory_space<hbm>>
      tpu.enqueue_indirect_dma source(%dma_start3A_93 : memref<1007616x32xf32, #tpu.memory_space<hbm>>) target(%arg6 : memref<1280x32xf32, #tpu.memory_space<vmem>>) offsets(%dma_start3A_90 : memref<1280xi32, #tpu.memory_space<vmem>>) semaphore(%arg8 : memref<!tpu.dma_semaphore, #tpu.memory_space<semaphore_mem>>)
      %add3A_94 = arith.constant 1 : i32
      %add3A_95 = arith.addi %add3A_64, %add3A_94 : i32
      %dma_wait3A_96 = arith.constant 0 : i32
      %dma_wait3A_97 = arith.constant 0 : i32
      %dma_wait3A_98 = tpu.memref_slice %arg2[%dma_wait3A_96, %dma_wait3A_97] : memref<1007616x32xf32, #tpu.memory_space<hbm>> -> memref<1280x32xf32, #tpu.memory_space<hbm>>
      %dma_wait3A_99 = arith.constant 0 : i32
      %dma_wait3A_100 = arith.constant 0 : i32
      %dma_wait3A_101 = tpu.memref_slice %arg2[%dma_wait3A_99, %dma_wait3A_100] : memref<1007616x32xf32, #tpu.memory_space<hbm>> -> memref<1280x32xf32, #tpu.memory_space<hbm>>
      tpu.wait_dma2 semaphore(%arg8 : memref<!tpu.dma_semaphore, #tpu.memory_space<semaphore_mem>>) src(%dma_wait3A_101 : memref<1280x32xf32, #tpu.memory_space<hbm>>) dst(%arg6 : memref<1280x32xf32, #tpu.memory_space<vmem>>)
      %mul3A_102 = arith.constant 1280 : i32
      %mul3A_103 = arith.muli %add3A_95, %mul3A_102 : i32
      %add3A_104 = arith.addi %mul3A_2, %mul3A_103 : i32
      %dma_start3A_105 = arith.constant 0 : i32
      %dma_start3A_106 = tpu.memref_slice %arg4[%add3A_104, %dma_start3A_105] : memref<819200x32xf32, #tpu.memory_space<hbm>> -> memref<1280x32xf32, #tpu.memory_space<hbm>>
      %dma_start3A_107 = arith.constant 0 : i32
      %dma_start3A_108 = tpu.memref_slice %arg4[%add3A_104, %dma_start3A_107] : memref<819200x32xf32, #tpu.memory_space<hbm>> -> memref<1280x32xf32, #tpu.memory_space<hbm>>
      tpu.enqueue_dma source(%arg6 : memref<1280x32xf32, #tpu.memory_space<vmem>>) target(%dma_start3A_108 : memref<1280x32xf32, #tpu.memory_space<hbm>>) target_semaphore(%arg10 : memref<!tpu.dma_semaphore, #tpu.memory_space<semaphore_mem>>)
      %dma_wait3A_109 = arith.constant 0 : i32
      %dma_wait3A_110 = arith.constant 0 : i32
      %dma_wait3A_111 = tpu.memref_slice %arg4[%dma_wait3A_109, %dma_wait3A_110] : memref<819200x32xf32, #tpu.memory_space<hbm>> -> memref<1280x32xf32, #tpu.memory_space<hbm>>
      %dma_wait3A_112 = arith.constant 0 : i32
      %dma_wait3A_113 = arith.constant 0 : i32
      %dma_wait3A_114 = tpu.memref_slice %arg4[%dma_wait3A_112, %dma_wait3A_113] : memref<819200x32xf32, #tpu.memory_space<hbm>> -> memref<1280x32xf32, #tpu.memory_space<hbm>>
      tpu.wait_dma2 semaphore(%arg11 : memref<!tpu.dma_semaphore, #tpu.memory_space<semaphore_mem>>) src(%arg7 : memref<1280x32xf32, #tpu.memory_space<vmem>>) dst(%dma_wait3A_114 : memref<1280x32xf32, #tpu.memory_space<hbm>>)
      %add3A_115 = arith.constant 1 : i32
      %add3A_116 = arith.addi %add3A_95, %add3A_115 : i32
      %dma_start3A_117 = arith.constant 0 : i32
      %dma_start3A_118 = tpu.memref_slice %arg5[%add3A_116, %dma_start3A_117] : memref<20x1280xi32, #tpu.memory_space<vmem>> -> memref<1x1280xi32, #tpu.memory_space<vmem>>
      %dma_start3A_119 = tpu.memref_squeeze %dma_start3A_118 : memref<1x1280xi32, #tpu.memory_space<vmem>> -> memref<1280xi32, #tpu.memory_space<vmem>>
      %dma_start3A_120 = arith.constant 0 : i32
      %dma_start3A_121 = arith.constant 0 : i32
      %dma_start3A_122 = tpu.memref_slice %arg2[%dma_start3A_120, %dma_start3A_121] : memref<1007616x32xf32, #tpu.memory_space<hbm>> -> memref<1007616x32xf32, #tpu.memory_space<hbm>>
      tpu.enqueue_indirect_dma source(%dma_start3A_122 : memref<1007616x32xf32, #tpu.memory_space<hbm>>) target(%arg7 : memref<1280x32xf32, #tpu.memory_space<vmem>>) offsets(%dma_start3A_119 : memref<1280xi32, #tpu.memory_space<vmem>>) semaphore(%arg9 : memref<!tpu.dma_semaphore, #tpu.memory_space<semaphore_mem>>)
    }
    %scan3A_35 = arith.constant 9 : i32
    %dma_wait3A_36 = arith.constant 0 : i32
    %dma_wait3A_37 = arith.constant 0 : i32
    %dma_wait3A_38 = tpu.memref_slice %arg2[%dma_wait3A_36, %dma_wait3A_37] : memref<1007616x32xf32, #tpu.memory_space<hbm>> -> memref<1280x32xf32, #tpu.memory_space<hbm>>
    %dma_wait3A_39 = arith.constant 0 : i32
    %dma_wait3A_40 = arith.constant 0 : i32
    %dma_wait3A_41 = tpu.memref_slice %arg2[%dma_wait3A_39, %dma_wait3A_40] : memref<1007616x32xf32, #tpu.memory_space<hbm>> -> memref<1280x32xf32, #tpu.memory_space<hbm>>
    tpu.wait_dma2 semaphore(%arg9 : memref<!tpu.dma_semaphore, #tpu.memory_space<semaphore_mem>>) src(%dma_wait3A_41 : memref<1280x32xf32, #tpu.memory_space<hbm>>) dst(%arg7 : memref<1280x32xf32, #tpu.memory_space<vmem>>)
    %add3A_42 = arith.constant 24320 : i32
    %add3A_43 = arith.addi %mul3A_2, %add3A_42 : i32
    %dma_start3A_44 = arith.constant 0 : i32
    %dma_start3A_45 = tpu.memref_slice %arg4[%add3A_43, %dma_start3A_44] : memref<819200x32xf32, #tpu.memory_space<hbm>> -> memref<1280x32xf32, #tpu.memory_space<hbm>>
    %dma_start3A_46 = arith.constant 0 : i32
    %dma_start3A_47 = tpu.memref_slice %arg4[%add3A_43, %dma_start3A_46] : memref<819200x32xf32, #tpu.memory_space<hbm>> -> memref<1280x32xf32, #tpu.memory_space<hbm>>
    tpu.enqueue_dma source(%arg7 : memref<1280x32xf32, #tpu.memory_space<vmem>>) target(%dma_start3A_47 : memref<1280x32xf32, #tpu.memory_space<hbm>>) target_semaphore(%arg11 : memref<!tpu.dma_semaphore, #tpu.memory_space<semaphore_mem>>)
    %dma_wait3A_48 = arith.constant 0 : i32
    %dma_wait3A_49 = arith.constant 0 : i32
    %dma_wait3A_50 = tpu.memref_slice %arg4[%dma_wait3A_48, %dma_wait3A_49] : memref<819200x32xf32, #tpu.memory_space<hbm>> -> memref<1280x32xf32, #tpu.memory_space<hbm>>
    %dma_wait3A_51 = arith.constant 0 : i32
    %dma_wait3A_52 = arith.constant 0 : i32
    %dma_wait3A_53 = tpu.memref_slice %arg4[%dma_wait3A_51, %dma_wait3A_52] : memref<819200x32xf32, #tpu.memory_space<hbm>> -> memref<1280x32xf32, #tpu.memory_space<hbm>>
    tpu.wait_dma2 semaphore(%arg10 : memref<!tpu.dma_semaphore, #tpu.memory_space<semaphore_mem>>) src(%arg6 : memref<1280x32xf32, #tpu.memory_space<vmem>>) dst(%dma_wait3A_53 : memref<1280x32xf32, #tpu.memory_space<hbm>>)
    %dma_wait3A_54 = arith.constant 0 : i32
    %dma_wait3A_55 = arith.constant 0 : i32
    %dma_wait3A_56 = tpu.memref_slice %arg4[%dma_wait3A_54, %dma_wait3A_55] : memref<819200x32xf32, #tpu.memory_space<hbm>> -> memref<1280x32xf32, #tpu.memory_space<hbm>>
    %dma_wait3A_57 = arith.constant 0 : i32
    %dma_wait3A_58 = arith.constant 0 : i32
    %dma_wait3A_59 = tpu.memref_slice %arg4[%dma_wait3A_57, %dma_wait3A_58] : memref<819200x32xf32, #tpu.memory_space<hbm>> -> memref<1280x32xf32, #tpu.memory_space<hbm>>
    tpu.wait_dma2 semaphore(%arg11 : memref<!tpu.dma_semaphore, #tpu.memory_space<semaphore_mem>>) src(%arg7 : memref<1280x32xf32, #tpu.memory_space<vmem>>) dst(%dma_wait3A_59 : memref<1280x32xf32, #tpu.memory_space<hbm>>)
    return
  }
}

module attributes {stable_mosaic.version = 14 : i64} {
  func.func @_untile_body(%arg0: i32, %arg1: memref<32x8192xf32, #tpu.memory_space<vmem>>, %arg2: memref<2048x128xf32, #tpu.memory_space<vmem>>) attributes {dimension_semantics = [#tpu.dimension_semantics<arbitrary>], iteration_bounds = array<i64: 123>, scalar_prefetch = 0 : i64, scratch_operands = 0 : i64, tpu.core_type = #tpu.core_type<tc>, window_params = [{transform_indices = @transform_0, window_bounds = array<i64: 32, 8192>}, {transform_indices = @transform_1, window_bounds = array<i64: 2048, 128>}]} {
    %get3A = arith.constant 0 : index
    %get3A_0 = arith.constant 0 : index
    %get3A_1 = vector.load %arg1[%get3A, %get3A_0] : memref<32x8192xf32, #tpu.memory_space<vmem>>, vector<32x2048xf32>
    %transpose3A = tpu.transpose %get3A_1, [1, 0] : vector<32x2048xf32> -> vector<2048x32xf32>
    %swap3A = arith.constant 0 : index
    %swap3A_2 = arith.constant 0 : index
    %swap3A_3 = vector.load %arg2[%swap3A, %swap3A_2] : memref<2048x128xf32, #tpu.memory_space<vmem>>, vector<2048x32xf32>
    tpu.vector_store %arg2[%swap3A, %swap3A_2], %transpose3A {strides = array<i32>} : memref<2048x128xf32, #tpu.memory_space<vmem>>, vector<2048x32xf32>,
    %get3A_4 = arith.constant 0 : index
    %get3A_5 = arith.constant 2048 : index
    %get3A_6 = vector.load %arg1[%get3A_4, %get3A_5] : memref<32x8192xf32, #tpu.memory_space<vmem>>, vector<32x2048xf32>
    %transpose3A_7 = tpu.transpose %get3A_6, [1, 0] : vector<32x2048xf32> -> vector<2048x32xf32>
    %swap3A_8 = arith.constant 0 : index
    %swap3A_9 = arith.constant 32 : index
    %swap3A_10 = vector.load %arg2[%swap3A_8, %swap3A_9] : memref<2048x128xf32, #tpu.memory_space<vmem>>, vector<2048x32xf32>
    tpu.vector_store %arg2[%swap3A_8, %swap3A_9], %transpose3A_7 {strides = array<i32>} : memref<2048x128xf32, #tpu.memory_space<vmem>>, vector<2048x32xf32>,
    %get3A_11 = arith.constant 0 : index
    %get3A_12 = arith.constant 4096 : index
    %get3A_13 = vector.load %arg1[%get3A_11, %get3A_12] : memref<32x8192xf32, #tpu.memory_space<vmem>>, vector<32x2048xf32>
    %transpose3A_14 = tpu.transpose %get3A_13, [1, 0] : vector<32x2048xf32> -> vector<2048x32xf32>
    %swap3A_15 = arith.constant 0 : index
    %swap3A_16 = arith.constant 64 : index
    %swap3A_17 = vector.load %arg2[%swap3A_15, %swap3A_16] : memref<2048x128xf32, #tpu.memory_space<vmem>>, vector<2048x32xf32>
    tpu.vector_store %arg2[%swap3A_15, %swap3A_16], %transpose3A_14 {strides = array<i32>} : memref<2048x128xf32, #tpu.memory_space<vmem>>, vector<2048x32xf32>,
    %get3A_18 = arith.constant 0 : index
    %get3A_19 = arith.constant 6144 : index
    %get3A_20 = vector.load %arg1[%get3A_18, %get3A_19] : memref<32x8192xf32, #tpu.memory_space<vmem>>, vector<32x2048xf32>
    %transpose3A_21 = tpu.transpose %get3A_20, [1, 0] : vector<32x2048xf32> -> vector<2048x32xf32>
    %swap3A_22 = arith.constant 0 : index
    %swap3A_23 = arith.constant 96 : index
    %swap3A_24 = vector.load %arg2[%swap3A_22, %swap3A_23] : memref<2048x128xf32, #tpu.memory_space<vmem>>, vector<2048x32xf32>
    tpu.vector_store %arg2[%swap3A_22, %swap3A_23], %transpose3A_21 {strides = array<i32>} : memref<2048x128xf32, #tpu.memory_space<vmem>>, vector<2048x32xf32>,
    return
  }
  func.func @transform_0(%arg0: i32) -> (i32, i32) {
    %c0_i32 = arith.constant 0 : i32
    %c0_i32_0 = arith.constant 0 : i32
    return %c0_i32, %arg0 : i32, i32
  }
  func.func @transform_1(%arg0: i32) -> (i32, i32) {
    %c0_i32 = arith.constant 0 : i32
    %c0_i32_0 = arith.constant 0 : i32
    return %arg0, %c0_i32 : i32, i32
  }
}

</mosaic_0001>

<sc_bundles>
// kernel: kernel.4.cloned.1.call-start
scs
__scs_entry_jumppad:
0x0: {  	(pc) =	sbr.rel $0x88, $3  }
0x1: {  	(tag) =	ssettag $0x0;
	lr =	simm.s32 $0x1  }
0x2: {  	[smem:$0x3F9F] =	sst lr;
	_ =	strace $0xD0000000  }
0x3: {  	_ = 	snop  }
0x4: {  	_ = 	snop  }
0x5: {  	_ = 	snop  }
0x6: {  	_ = 	snop  }
0x7: {  	_ = 	snop  }
__scs_overlays_trampoline_lowered:
0x8: {  	[smem:$0x3FAE] =	sst s0  }
0x9: {  	[smem:$0x3FAF] =	sst s1  }
0xa: {  	[smem:$0x3FB0] =	sst s2  }
0xb: {  	[smem:$0x3FB1] =	sst s3  }
0xc: {  	[smem:$0x3FB2] =	sst s4  }
0xd: {  	[smem:$0x3FB3] =	sst s5  }
0xe: {  	[smem:$0x3FB4] =	sst s6  }
0xf: {  	[smem:$0x3FB5] =	sst s7  }
0x10: {  	[smem:$0x3FB6] =	sst s8  }
0x11: {  	[smem:$0x3FB7] =	sst s9;
	s0 =	simm.s32 @!p0 $0x0  }
0x12: {  	s1 =	sld [smem:$0x3F9D];
	s0 =	simm.s32 @p0 $0x1  }
0x13: {  	[smem:$0x3FB8] =	sst s0;
	s0 =	simm.s32 @!p1 $0x0  }
0x14: {  	s2 =	sld [smem:$0x3F9C];
	s0 =	simm.s32 @p1 $0x1  }
0x15: {  	[smem:$0x3FB9] =	sst s0;
	s0 =	simm.s32 @!p2 $0x0  }
0x16: {  	s3 =	sld [smem:$0x3FDB];
	s0 =	simm.s32 @p2 $0x1  }
0x17: {  	s4 =	simm.s32 $0x1BF5;
	[smem:$0x3FBB] =	sst s0  }
0x18: {  	s0 =	sld [smem:$0x3F9E];
	_ =	swait.ge [sflag:s4], $0x0  }
0x19: {  	s7 =	sld [smem:$0x3F9F]  }
0x1a: {  	s8 =	sadd.s32 $0xFFFFE003, lr  }
0x1b: {  	s9 =	sadd.s32 $0xFFFFFEF7, lr;
	s5 =	simm.s32 $0xFFFFFFFF;
	p2 =	slt.u32 s8, $0xFFFFF086  }
0x1c: {  	p1 =	slt.u32 s9, $0xF7A;
	s5 =	simm.s32 @!p2 $0x0  }
0x1d: {  	s5 =	simm.s32 @p1 $0x1;
	p0 =	seq.s32 s7, s2  }
0x1e: {  	s7 =	smul.u32 @!p0 $0xF7A, s2;
	p2 =	seq.s32 @!p0 s5, $0x0  }
0x1f: {  	s9 =	smul.u32 $0xF7A, s1;
	s8 =	simm.s32 @!p0 $0x1BF5;
	p2 =	por !p2, p0  }
0x20: {  	[sflag:s8] =	ssyncset.s32 @!p0 $0xFFFFF086;
	s6 =	sadd.s32 @!p0 s3, s7;
	s7 =	simm.s32 @!p0 $0x108  }
0x21: {  	s3 =	sadd.s32 s3, s9;
	s6 =	sadd.s32 @!p0 $0x88, s6;
	s7 =	simm.s32 @p2 $0x1082  }
0x22: {  	[simem:s7], [sflag:s8] =	dma.local @!p0 [hbm:s6], $0xF7A  }
0x23: {  	s9 =	sor.u32 $0xD0000000, s2;
	s6 =	simm.s32 $0x108;
	_ =	swait.ge @!p0 [sflag:s8], $0x0  }
0x24: {  	s3 =	sadd.s32 $0x88, s3;
	s6 =	simm.s32 @!p1 $0x1082;
	[sflag:s4] =	ssyncset.s32 $0xFFFFF086  }
0x25: {  	[simem:s6], [sflag:s4] =	dma.local [hbm:s3], $0xF7A  }
0x26: {  	[smem:$0x3F9F] =	sst s1;
	(tag) =	ssettag s2;
	_ =	strace s9  }
0x27: {  	s1 =	sld [smem:$0x3FAF]  }
0x28: {  	s2 =	sld [smem:$0x3FB0]  }
0x29: {  	s4 =	sld [smem:$0x3FB2]  }
0x2a: {  	p0 =	seq.s32 s5, $0x0;
	s5 =	sld [smem:$0x3FB3]  }
0x2b: {  	s6 =	sld [smem:$0x3FB4]  }
0x2c: {  	s7 =	sld [smem:$0x3FB5]  }
0x2d: {  	s3 =	simm.s32 $0x108;
	s8 =	sld [smem:$0x3FB6]  }
0x2e: {  	s3 =	simm.s32 @!p0 $0x1082;
	s9 =	sld [smem:$0x3FB7]  }
0x2f: {  	lr =	sadd.s32 s0, s3;
	s0 =	sld [smem:$0x3FAE]  }
0x30: {  	s3 =	sld [smem:$0x3FB1]  }
0x31: {  	[smem:$0x3FBA] =	sst s10  }
0x32: {  	s10 =	sld [smem:$0x3FB8];
	_ =	sdelay $0x3  }
0x33: {  	p0 =	seq.s32 s10, $0x1;
	s10 =	sld [smem:$0x3FBA];
	_ =	sdelay $0x3  }
0x34: {  	[smem:$0x3FBA] =	sst s10  }
0x35: {  	s10 =	sld [smem:$0x3FB9];
	_ =	sdelay $0x3  }
0x36: {  	p1 =	seq.s32 s10, $0x1;
	s10 =	sld [smem:$0x3FBA];
	_ =	sdelay $0x3  }
0x37: {  	[smem:$0x3FBA] =	sst s10  }
0x38: {  	s10 =	sld [smem:$0x3FBB]  }
0x39: {  	_ = 	snop;
	(pc) =	sbr.ind lr, $3  }
0x3a: {  	_ = 	snop  }
0x3b: {  	_ = 	snop  }
0x3c: {  	p2 =	seq.s32 s10, $0x1;
	s10 =	sld [smem:$0x3FBA]  }
0x3d: {  	_ =	shalt  }
0x3e: {  	_ =	shalt  }
0x3f: {  	_ =	shalt  }
0x40: {  	_ =	shalt  }
0x41: {  	_ =	shalt  }
0x42: {  	_ =	shalt  }
0x43: {  	_ =	shalt  }
0x44: {  	_ =	shalt  }
0x45: {  	_ =	shalt  }
0x46: {  	_ =	shalt  }
0x47: {  	_ =	shalt  }
0x48: {  	_ =	shalt  }
0x49: {  	_ =	shalt  }
0x4a: {  	_ =	shalt  }
0x4b: {  	_ =	shalt  }
0x4c: {  	_ =	shalt  }
0x4d: {  	_ =	shalt  }
0x4e: {  	_ =	shalt  }
0x4f: {  	_ =	shalt  }
0x50: {  	_ =	shalt  }
0x51: {  	_ =	shalt  }
0x52: {  	_ =	shalt  }
0x53: {  	_ =	shalt  }
0x54: {  	_ =	shalt  }
0x55: {  	_ =	shalt  }
0x56: {  	_ =	shalt  }
0x57: {  	_ =	shalt  }
0x58: {  	_ =	shalt  }
0x59: {  	_ =	shalt  }
0x5a: {  	_ =	shalt  }
0x5b: {  	_ =	shalt  }
0x5c: {  	_ =	shalt  }
0x5d: {  	_ =	shalt  }
0x5e: {  	_ =	shalt  }
0x5f: {  	_ =	shalt  }
0x60: {  	_ =	shalt  }
0x61: {  	_ =	shalt  }
0x62: {  	_ =	shalt  }
0x63: {  	_ =	shalt  }
0x64: {  	_ =	shalt  }
0x65: {  	_ =	shalt  }
0x66: {  	_ =	shalt  }
0x67: {  	_ =	shalt  }
0x68: {  	_ =	shalt  }
0x69: {  	_ =	shalt  }
0x6a: {  	_ =	shalt  }
0x6b: {  	_ =	shalt  }
0x6c: {  	_ =	shalt  }
0x6d: {  	_ =	shalt  }
0x6e: {  	_ =	shalt  }
0x6f: {  	_ =	shalt  }
0x70: {  	_ =	shalt  }
0x71: {  	_ =	shalt  }
0x72: {  	_ =	shalt  }
0x73: {  	_ =	shalt  }
0x74: {  	_ =	shalt  }
0x75: {  	_ =	shalt  }
0x76: {  	_ =	shalt  }
0x77: {  	_ =	shalt  }
0x78: {  	_ =	shalt  }
0x79: {  	_ =	shalt  }
0x7a: {  	_ =	shalt  }
0x7b: {  	_ =	shalt  }
0x7c: {  	_ =	shalt  }
0x7d: {  	_ =	shalt  }
0x7e: {  	_ =	shalt  }
0x7f: {  	_ =	shalt  }
0x80: {  	_ =	shalt  }
0x81: {  	_ =	shalt  }
0x82: {  	_ =	shalt  }
0x83: {  	_ =	shalt  }
0x84: {  	_ =	shalt  }
0x85: {  	_ =	shalt  }
0x86: {  	_ =	shalt  }
0x87: {  	_ =	shalt  }
.Lfunc_end0:
.L_simem_size_0:
called_computation.1_lowered:
.L_overlay_start_0:
0x88: {  	s2 =	sld [smem:$0x3FD9]  }
0x89: {  	s3 =	sld [smem:$0x3FFE];
	_ =	sdelay $0x1  }
0x8a: {  	s1 =	srdreg.scid  }
0x8b: {  	s0 =	sand.u32 $0x1, s1  }
0x8c: {  	s17 =	sshll.u32 s0, $0xA;
	s2 =	sadd.s32 s3, s2  }
0x8d: {  	s2 =	sadd.s32 s2, s17  }
0x8e: {  	[smem:$0x3FC6] =	sst s2  }
0x8f: {  	_ = 	snop  }
0x90: {  	s2 =	sld [smem:$0x3FD0];
	(tm) =	ssettm $0x1  }
0x91: {  	s18 =	sld [smem:$0x3FFB];
	_ =	sdelay $0x3  }
0x92: {  	_ =	strace s18  }
0x93: {  	s3 =	sld [smem:$0x3FFC];
	_ =	sdelay $0x3  }
0x94: {  	_ =	strace s3  }
0x95: {  	s3 =	sld [smem:$0x3FFD];
	_ =	sdelay $0x3  }
0x96: {  	_ =	strace s3  }
0x97: {  	_ =	strace $0x8FFFFFFF  }
0x98: {  	s19 =	sld [smem:$0x3FDB];
	_ =	sdelay $0x1  }
0x99: {  	s4 =	simm.s32 $_scs_section_size  }
0x9a: {  	s5 =	simm.s32 $_size__tile_overlayer_lowered;
	s6 =	simm.s32 $_tile_overlayer_lowered  }
0x9b: {  	s22 =	simm.s32 $0x1BFF;
	s21 =	sshll.u32 s6, $0x1;
	s3 =	sadd.s32 s4, s19  }
0x9c: {  	s7 =	simm.s32 $0x0;
	s20 =	sshll.u32 s5, $0x1;
	s5 =	sadd.s32 s21, s3  }
0x9d: {  	[timem:s7], [sflag:s22] =	dma.local [hbm:s5], s20  }
0x9e: {  	_ =	swait.ge [sflag:s22], s20  }
0x9f: {  	s4 =	ssub.s32 $0x0, s20;
	[sflag:s22] =	ssyncset.done $0x0  }
0xa0: {  	[sflag:s22] =	ssyncadd.s32 s4;
	_ =	sdelay $0x1  }
0xa1: {  	s23 =	simm.s32 $0x1B8B  }
0xa2: {  	_ =	swait.ge [sflag:s23], $0x1  }
0xa3: {  	[sflag:s23] =	ssyncset.done $0x0  }
0xa4: {  	s25 =	simm.s32 $0x1B8E;
	s24 =	sld [smem:$0x3FFE];
	[sflag:s23] =	ssyncadd.s32 $0xFFFFFFFF  }
0xa5: {  	s26 =	simm.s32 $execute0_lowered;
	[smem:$0x3FD2] =	sst s25  }
0xa6: {  	s5 =	sshll.u32 s26, $0x1;
	_ =	strace $0x80000046;
	[dreg:$0x1] =	wrdreg $0xFFFFFFFF  }
0xa7: {  	s28 =	simm.s32 $_size_execute0_lowered;
	s3 =	sadd.s32 s3, s5;
	[dreg:$0x0] =	wrdreg $0x0  }
0xa8: {  	s5 =	sshll.u32 s28, $0x1;
	[dreg:$0x2] =	wrdreg s3  }
0xa9: {  	[dreg:$0x3] =	wrdreg s5  }
0xaa: {  	[dreg:$0x4] =	wrdreg $0xC0  }
0xab: {  	_ =	task [dreg:s7], $0x5FFFF  }
0xac: {  	[dreg:$0x1] =	wrdreg $0xFFFFFFFF  }
0xad: {  	[dreg:$0x0] =	wrdreg $0x60  }
0xae: {  	[dreg:$0x2] =	wrdreg s24  }
0xaf: {  	[dreg:$0x3] =	wrdreg s2  }
0xb0: {  	[dreg:$0x4] =	wrdreg $0x9  }
0xb1: {  	_ =	task.clear_ibuf [dreg:s7], $0x5FFFF;
	_ =	strace $0x90000046  }
0xb2: {  	s29 =	simm.s32 $0x9;
	_ =	strace $0x80000048  }
0xb3: {  	_ =	swait.ge [sflag:s29], $0x1  }
0xb4: {  	[sflag:s29] =	ssyncadd.s32 $0xFFFFFFFF  }
0xb5: {  	_ =	strace $0x90000048  }
0xb6: {  	_ =	sfence  }
0xb7: {  	s30 =	sld [smem:$0x0];
	_ =	sdelay $0x2  }
0xb8: {  	s31 =	sshll.u32 s1, $0xD;
	s1 =	sshrl.u32 s1, $0x2  }
0xb9: {  	s3 =	sand.u32 $0x4000, s31;
	s1 =	sadd.s32 s1, s30  }
0xba: {  	s0 =	sor.u32 s3, s0;
	s1 =	sshll.u32 s1, $0x11  }
0xbb: {  	s0 =	sor.u32 s1, s0  }
0xbc: {  	s0 =	sadd.s32 $0x8F2B, s0  }
0xbd: {  	[sflag:s0] =	ssyncadd.remote.s32 $0x1  }
0xbe: {  	_ =	sfence.sel $0xFFFF  }
0xbf: {  	[dreg:$0x0] =	wrdreg $0xFFFFFFFF;
	(pc) =	sbr.abs _section_cstart, $3  }
0xc0: {  	[dreg:$0x1] =	wrdreg $0xFFFFFFFF  }
0xc1: {  	_ =	task.clear_ibuf [dreg:s7], $0x2FFFF;
	_ =	strace $0x9FFFFFFF  }
0xc2: {  	(tm) =	ssettm $0x7FFFFFFF  }
0xc3: {  	_ =	shalt  }
tec
execute0_lowered:
.L_overlay_start_1:
0x0: {  	(tag) =	ssettag $0x1  }
0x1: {  	s1 =	srdreg.scid  }
0x2: {  	s0 =	stileid.u32;
	s4 =	rddreg [dreg:$0x0]  }
0x3: {  	s7 =	rddreg [dreg:$0x1];
	s2 =	simm.s32 $0x0;
	s13 =	simm.s32 $0x1  }
0x4: {  	s14 =	simm.s32 $0x10400;
	s15 =	simm.s32 $0x2;
	s16 =	simm.s32 $0x3  }
0x5: {  	s17 =	simm.s32 $0x4;
	s18 =	simm.s32 $0x0;
	s3 =	sand.u32 $0x1, s1  }
0x6: {  	s28 =	sshll.u32 s0, $0x1;
	s1 =	rddreg [dreg:$0x2];
	s10 =	smul.u32 $0xC800, s0  }
0x7: {  	[smem:$0x7FF] =	sst s2;
	s5 =	sor.u32 s3, s28;
	s12 =	smul.u32 $0x6400, s3  }
0x8: {  	_ =	strace $0x80000047;
	s9 =	ssub.s32 $0x2, s3;
	s6 =	smul.u32 $0x6400, s5  }
0x9: {  	s3 =	sadd.s32 $0x19800, s4;
	s8 =	smul.u32 $0xC8000, s5;
	s11 =	sshrl.u32 s9, $0x1  }
0xa: {  	s5 =	smul.u32 $0x19000, s5;
	s9 =	ssub.s32 s9, s11;
	s30 =	sadd.s32 s12, s10  }
0xb: {  	s10 =	simm.s32 $0x5;
	s11 =	simm.s32 $0x500;
	s12 =	simm.s32 $0x6400  }
0xc: {  	s6 =	sshrl.u32 s6, $0x3;
	s29 =	sshrl.u32 s8, $0x3;
	s8 =	sshll.u32 s30, $0x2  }
0xd: {  	s5 =	sadd.s32 s7, s5;
	s4 =	sadd.s32 s6, s4;
	s6 =	sadd.s32 s7, s29  }
0xe: {  	s31 =	sadd.s32 s7, s8;
	s7 =	smax.u32 s9, $0x1;
	s4 =	sadd.s32 $0x800, s4  }
0xf: {  	s6 =	sadd.s32 $0x17C00, s6;
	s8 =	sadd.s32 $0x1400, s31;
	s9 =	sadd.s32 $0x2800, s31  }
.LBB2_1:
0x10: {  	s19 =	smul.u32 $0xCCCD, s2;
	_ =	sdelay $0x1  }
0x11: {  	s19 =	sshrl.u32 s19, $0x16  }
0x12: {  	s20 =	smul.u32 $0x50, s19  }
0x13: {  	[tilespmem:s2], [sflag:$0x5] =	stream.linear.gather [hbm4b:s4+s2], $0x6400, $0x38;
	[tilespmem:$0x1A400] =	vst v63  }
0x14: {  	s19 =	smul.u32 $0x1400, s19;
	s20 =	ssub.s32 $0x0, s20  }
0x15: {  	_ =	swait.ge [sflag:s10], $0x6400;
	s20 =	sand.u32 $0xFFFF, s20  }
0x16: {  	[sflag:s10] =	ssyncset.done $0x0;
	s19 =	sshrl.u32 s19, $0x2;
	s21 =	sshll.u32 s20, $0x4  }
0x17: {  	[sflag:s10] =	ssyncadd.s32 $0xFFFF9C00;
	s19 =	sadd.s32 s21, s19  }
0x18: {  	s20 =	simm.s32 $0x1;
	v0 =	vld [tilespmem:s19+$0x0]  }
0x19: {  	s22 =	smul.u32 $0xCCCD, s20;
	s21 =	simm.s32 $0x2  }
.LBB2_2:
0x1a: {  	p0 =	sne.s32 s21, $0x63F  }
0x1b: {  	s22 =	sshrl.u32 s22, $0x16  }
0x1c: {  	s23 =	smul.u32 $0x50, s22  }
0x1d: {  	v1 =	vshll.u32 v0, $0x2  }
0x1e: {  	s22 =	smul.u32 $0x1400, s22;
	v2 =	vand.u32 $0xFFFFE000, v0;
	v0 =	vshrl.u32 v0, $0xB;
	s23 =	ssub.s32 s20, s23;
	v1 =	vand.u32 $0x1FFC, v1;
	s20 =	smov.u32 s21  }
.Ltmp0:
0x1f: {  	v0 =	vand.u32 $0x3, v0;
	s23 =	sand.u32 $0xFFFF, s23;
	v1 =	vor.u32 v2, v1;
	(pc) =	sbr.rel @p0 .LBB2_2-.Ltmp0, $4  }
0x20: {  	s22 =	sshrl.u32 s22, $0x2;
	s23 =	sshll.u32 s23, $0x4;
	v0 =	vor.u32 v0, v1  }
0x21: {  	[tilespmem:s19+$0x0] =	vst v0;
	s19 =	sadd.s32 s23, s22  }
0x22: {  	v0 =	vld [tilespmem:s19+$0x0]  }
0x23: {  	s21 =	sadd.s32 $0x1, s21;
	s22 =	smul.u32 $0xCCCD, s20  }
0x24: {  	_ = 	snop  }
0x25: {  	s21 =	sshrl.u32 s22, $0x16  }
0x26: {  	s22 =	smul.u32 $0x50, s21  }
0x27: {  	v1 =	vshll.u32 v0, $0x2  }
0x28: {  	s21 =	smul.u32 $0x1400, s21;
	v2 =	vand.u32 $0xFFFFE000, v0;
	v61 =	vshrl.u32 v0, $0xB;
	s20 =	ssub.s32 s20, s22;
	v1 =	vand.u32 $0x1FFC, v1  }
0x29: {  	v0 =	vand.u32 $0x3, v61;
	s20 =	sand.u32 $0xFFFF, s20;
	v1 =	vor.u32 v2, v1  }
0x2a: {  	s21 =	sshrl.u32 s21, $0x2;
	s20 =	sshll.u32 s20, $0x4;
	v0 =	vor.u32 v0, v1  }
0x2b: {  	s20 =	sadd.s32 s20, s21;
	[tilespmem:s19+$0x0] =	vst v0  }
0x2c: {  	v0 =	vld [tilespmem:s20+$0x0];
	_ =	sdelay $0x4  }
0x2d: {  	v62 =	vshll.u32 v0, $0x2  }
0x2e: {  	v63 =	vand.u32 $0xFFFFE000, v0;
	v0 =	vshrl.u32 v0, $0xB;
	v1 =	vand.u32 $0x1FFC, v62  }
0x2f: {  	v0 =	vand.u32 $0x3, v0;
	v1 =	vor.u32 v63, v1  }
0x30: {  	v0 =	vor.u32 v0, v1  }
0x31: {  	s28 =	simm.s32 $0x0;
	[tilespmem:s20+$0x0] =	vst v0  }
0x32: {  	[tilespmem:s12], [sflag:$0x1] =	stream.indirect.gather [hbm4b:s3+s11], $0x20, s28, s11, $0xb8;
	[tilespmem:$0x1A400] =	vst v63  }
0x33: {  	_ =	swait.ge [sflag:s13], $0xA000  }
0x34: {  	[sflag:s13] =	ssyncset.done $0x0  }
0x35: {  	[sflag:s13] =	ssyncadd.s32 $0xFFFF6000  }
0x36: {  	[hbm4b:s5+s28] =	stream.linear.scatter [tilespmem:s12], [sflag:$0x3], $0xA000, $0x38;
	[tilespmem:$0x1A400] =	vst v63  }
0x37: {  	_ = 	snop  }
0x38: {  	[tilespmem:s14], [sflag:$0x2] =	stream.indirect.gather [hbm4b:s3+s11], $0x20, s11, s11, $0xb8;
	[tilespmem:$0x1A400] =	vst v63  }
0x39: {  	_ =	swait.ge [sflag:s15], $0xA000  }
0x3a: {  	[sflag:s15] =	ssyncset.done $0x0  }
0x3b: {  	s29 =	sadd.s32 $0x0, s8;
	[sflag:s15] =	ssyncadd.s32 $0xFFFF6000  }
0x3c: {  	[hbm4b:s29+s2] =	stream.linear.scatter [tilespmem:s14], [sflag:$0x4], $0xA000, $0x38;
	[tilespmem:$0x1A400] =	vst v63  }
0x3d: {  	_ =	swait.ge [sflag:s16], $0xA000  }
0x3e: {  	[sflag:s16] =	ssyncset.done $0x0  }
0x3f: {  	s30 =	simm.s32 $0xA00;
	[sflag:s16] =	ssyncadd.s32 $0xFFFF6000  }
0x40: {  	[tilespmem:s12], [sflag:$0x1] =	stream.indirect.gather [hbm4b:s3+s11], $0x20, s30, s11, $0xb8;
	[tilespmem:$0x1A400] =	vst v63  }
0x41: {  	_ =	swait.ge [sflag:s13], $0xA000  }
0x42: {  	[sflag:s13] =	ssyncset.done $0x0  }
0x43: {  	s31 =	sadd.s32 $0x0, s9;
	[sflag:s13] =	ssyncadd.s32 $0xFFFF6000  }
0x44: {  	[hbm4b:s31+s2] =	stream.linear.scatter [tilespmem:s12], [sflag:$0x3], $0xA000, $0x38;
	[tilespmem:$0x1A400] =	vst v63  }
0x45: {  	_ =	swait.ge [sflag:s17], $0xA000  }
0x46: {  	[sflag:s17] =	ssyncset.done $0x0  }
0x47: {  	s19 =	simm.s32 $0x2800;
	s20 =	simm.s32 $0xF00;
	[sflag:s17] =	ssyncadd.s32 $0xFFFF6000  }
.LBB2_4:
0x48: {  	[tilespmem:s14], [sflag:$0x2] =	stream.indirect.gather [hbm4b:s3+s11], $0x20, s20, s11, $0xb8;
	[tilespmem:$0x1A400] =	vst v63  }
0x49: {  	s20 =	smov.u32 s19  }
0x4a: {  	p0 =	sne.s32 s19, $0x14000;
	s19 =	sadd.s32 $0x2800, s19;
	_ =	swait.ge [sflag:s15], $0xA000  }
0x4b: {  	[sflag:s15] =	ssyncset.done $0x0  }
0x4c: {  	s21 =	sadd.s32 s20, s8;
	[sflag:s15] =	ssyncadd.s32 $0xFFFF6000  }
0x4d: {  	[hbm4b:s21+s2] =	stream.linear.scatter [tilespmem:s14], [sflag:$0x4], $0xA000, $0x38;
	[tilespmem:$0x1A400] =	vst v63  }
0x4e: {  	_ =	swait.ge [sflag:s16], $0xA000  }
0x4f: {  	s21 =	sshra.s32 s20, $0x2;
	[sflag:s16] =	ssyncset.done $0x0  }
0x50: {  	s22 =	sadd.s32 $0xA00, s21;
	[sflag:s16] =	ssyncadd.s32 $0xFFFF6000  }
0x51: {  	[tilespmem:s12], [sflag:$0x1] =	stream.indirect.gather [hbm4b:s3+s11], $0x20, s22, s11, $0xb8;
	[tilespmem:$0x1A400] =	vst v63  }
0x52: {  	_ =	swait.ge [sflag:s13], $0xA000  }
0x53: {  	[sflag:s13] =	ssyncset.done $0x0  }
.Ltmp1:
0x54: {  	s20 =	sadd.s32 s20, s9;
	[sflag:s13] =	ssyncadd.s32 $0xFFFF6000;
	(pc) =	sbr.rel @p0 .LBB2_4-.Ltmp1, $4  }
0x55: {  	[hbm4b:s20+s2] =	stream.linear.scatter [tilespmem:s12], [sflag:$0x3], $0xA000, $0x38;
	[tilespmem:$0x1A400] =	vst v63  }
0x56: {  	_ =	swait.ge [sflag:s17], $0xA000  }
0x57: {  	[sflag:s17] =	ssyncset.done $0x0  }
0x58: {  	s20 =	sadd.s32 $0xF00, s21;
	[sflag:s17] =	ssyncadd.s32 $0xFFFF6000  }
0x59: {  	[tilespmem:s14], [sflag:$0x2] =	stream.indirect.gather [hbm4b:s3+s11], $0x20, s20, s11, $0xb8;
	[tilespmem:$0x1A400] =	vst v63  }
0x5a: {  	_ =	swait.ge [sflag:s15], $0xA000  }
0x5b: {  	[sflag:s15] =	ssyncset.done $0x0  }
0x5c: {  	s18 =	sadd.s32 $0x1, s18;
	[sflag:s15] =	ssyncadd.s32 $0xFFFF6000  }
0x5d: {  	[hbm4b:s6+s2] =	stream.linear.scatter [tilespmem:s14], [sflag:$0x4], $0xA000, $0x38;
	[tilespmem:$0x1A400] =	vst v63  }
0x5e: {  	p0 =	sne.s32 s18, s7;
	_ =	swait.ge [sflag:s16], $0xA000  }
.Ltmp2:
0x5f: {  	[sflag:s16] =	ssyncset.done $0x0;
	(pc) =	sbr.rel @p0 .LBB2_1-.Ltmp2, $4  }
0x60: {  	[sflag:s16] =	ssyncadd.s32 $0xFFFF6000  }
0x61: {  	_ =	swait.ge [sflag:s17], $0xA000  }
0x62: {  	[sflag:s17] =	ssyncset.done $0x0  }
0x63: {  	[sflag:s17] =	ssyncadd.s32 $0xFFFF6000  }
0x64: {  	_ =	sfence.sel $0x180000  }
0x65: {  	[bflag:$0x0] =	sbarrier.arrive $0xFFFF  }
0x66: {  	p0 =	sne.s32 s0, $0x0;
	_ =	strace $0x90000047  }
0x67: {  	s0 =	sadd.s32 @!p0 $0x100000, s1;
	[bflag:$0x2] =	sbarrier.arrive $0xFFFF  }
0x68: {  	[sflag:s0] =	ssyncadd.tile.s32 @!p0 $0x1;
	_ =	shalt  }
.Lfunc_end2:
_tile_overlayer_lowered:
.L_overlay_start_2:
0x69: {  	(tag) =	ssettag $0x2  }
0x6a: {  	s0 =	rddreg [dreg:$0x0];
	s2 =	stileid.u32  }
0x6b: {  	s1 =	rddreg [dreg:$0x1];
	p0 =	sne.s32 s2, $0x0  }
0x6c: {  	s3 =	rddreg [dreg:$0x2];
	[bflag:$0x3] =	sbarrier.arrive $0xFFFF;
	s2 =	simm.s32 @!p0 $0x1C05  }
0x6d: {  	[timem:s3], [sflag:s2] =	dma.local @!p0 [hbm:s0], s1  }
0x6e: {  	s0 =	simm.s32 @!p0 $0x5  }
0x6f: {  	_ =	swait.ge @!p0 [sflag:s0], s1  }
0x70: {  	s1 =	ssub.s32 @!p0 $0x0, s1;
	[sflag:s0] =	ssyncset.done @!p0 $0x0  }
0x71: {  	[sflag:s0] =	ssyncadd.s32 @!p0 s1  }
0x72: {  	[bflag:$0x3] =	sbarrier.arrive $0xFFFF  }
0x73: {  	_ =	shalt  }

// kernel: sparse-core-data-format-call.cloned.1.call-start
scs
called_computation_lowered:
.L_overlay_start_0:
0x0: {  	s2 =	sld [smem:$0x3FD9]  }
0x1: {  	s3 =	sld [smem:$0x3FFE];
	_ =	sdelay $0x1  }
0x2: {  	s1 =	srdreg.scid  }
0x3: {  	s0 =	sand.u32 $0x1, s1  }
0x4: {  	s18 =	sshll.u32 s0, $0xA;
	s2 =	sadd.s32 s3, s2  }
0x5: {  	s2 =	sadd.s32 s2, s18  }
0x6: {  	[smem:$0x3FC6] =	sst s2  }
0x7: {  	_ = 	snop  }
0x8: {  	s2 =	sld [smem:$0x3FD0];
	(tm) =	ssettm $0x1  }
0x9: {  	s19 =	sld [smem:$0x3FFB];
	_ =	sdelay $0x3  }
0xa: {  	_ =	strace s19  }
0xb: {  	s3 =	sld [smem:$0x3FFC];
	_ =	sdelay $0x3  }
0xc: {  	_ =	strace s3  }
0xd: {  	s3 =	sld [smem:$0x3FFD];
	_ =	sdelay $0x3  }
0xe: {  	_ =	strace s3  }
0xf: {  	_ =	strace $0x8FFFFFFF  }
0x10: {  	s20 =	sld [smem:$0x3FDB];
	_ =	sdelay $0x1  }
0x11: {  	s4 =	simm.s32 $_scs_section_size  }
0x12: {  	s5 =	simm.s32 $_size__tile_overlayer_lowered;
	s6 =	simm.s32 $_tile_overlayer_lowered  }
0x13: {  	s23 =	simm.s32 $0x1BFF;
	s22 =	sshll.u32 s6, $0x1;
	s3 =	sadd.s32 s4, s20  }
0x14: {  	s7 =	simm.s32 $0x0;
	s21 =	sshll.u32 s5, $0x1;
	s5 =	sadd.s32 s22, s3  }
0x15: {  	[timem:s7], [sflag:s23] =	dma.local [hbm:s5], s21  }
0x16: {  	_ =	swait.ge [sflag:s23], s21  }
0x17: {  	s4 =	ssub.s32 $0x0, s21;
	[sflag:s23] =	ssyncset.done $0x0  }
0x18: {  	[sflag:s23] =	ssyncadd.s32 s4;
	_ =	sdelay $0x1  }
0x19: {  	s24 =	simm.s32 $0x1B8B  }
0x1a: {  	_ =	swait.ge [sflag:s24], $0x1  }
0x1b: {  	[sflag:s24] =	ssyncset.done $0x0  }
0x1c: {  	s26 =	simm.s32 $0x1B8E;
	s25 =	sld [smem:$0x3FFE];
	[sflag:s24] =	ssyncadd.s32 $0xFFFFFFFF  }
0x1d: {  	s27 =	simm.s32 $execute0_lowered;
	[smem:$0x3FD2] =	sst s26  }
0x1e: {  	s5 =	sshll.u32 s27, $0x1;
	_ =	strace $0x80000049;
	[dreg:$0x1] =	wrdreg $0xFFFFFFFF  }
0x1f: {  	s28 =	simm.s32 $_size_execute0_lowered;
	s3 =	sadd.s32 s3, s5;
	[dreg:$0x0] =	wrdreg $0x0  }
0x20: {  	s5 =	sshll.u32 s28, $0x1;
	[dreg:$0x2] =	wrdreg s3  }
0x21: {  	[dreg:$0x3] =	wrdreg s5  }
0x22: {  	[dreg:$0x4] =	wrdreg $0xC0  }
0x23: {  	_ =	task [dreg:s7], $0x5FFFF  }
0x24: {  	[dreg:$0x1] =	wrdreg $0xFFFFFFFF  }
0x25: {  	[dreg:$0x0] =	wrdreg $0x60  }
0x26: {  	[dreg:$0x2] =	wrdreg s25  }
0x27: {  	[dreg:$0x3] =	wrdreg s2  }
0x28: {  	[dreg:$0x4] =	wrdreg $0x9  }
0x29: {  	_ =	task.clear_ibuf [dreg:s7], $0x5FFFF;
	_ =	strace $0x90000049  }
0x2a: {  	s29 =	simm.s32 $0x9;
	_ =	strace $0x8000004B  }
0x2b: {  	_ =	swait.ge [sflag:s29], $0x1  }
0x2c: {  	[sflag:s29] =	ssyncadd.s32 $0xFFFFFFFF  }
0x2d: {  	_ =	strace $0x9000004B  }
0x2e: {  	_ =	sfence  }
0x2f: {  	s30 =	sld [smem:$0x0];
	_ =	sdelay $0x2  }
0x30: {  	s31 =	sshll.u32 s1, $0xD;
	s1 =	sshrl.u32 s1, $0x2  }
0x31: {  	s3 =	sand.u32 $0x4000, s31;
	s1 =	sadd.s32 s1, s30  }
0x32: {  	s0 =	sor.u32 s3, s0;
	s1 =	sshll.u32 s1, $0x11  }
0x33: {  	s0 =	sor.u32 s1, s0  }
0x34: {  	s0 =	sadd.s32 $0x8F2B, s0  }
0x35: {  	[sflag:s0] =	ssyncadd.remote.s32 $0x1  }
0x36: {  	_ =	sfence.sel $0xFFFF  }
0x37: {  	[dreg:$0x0] =	wrdreg $0xFFFFFFFF;
	(pc) =	sbr.abs _section_cstart, $3  }
0x38: {  	[dreg:$0x1] =	wrdreg $0xFFFFFFFF  }
0x39: {  	_ =	task.clear_ibuf [dreg:s7], $0x2FFFF;
	_ =	strace $0x9FFFFFFF  }
0x3a: {  	(tm) =	ssettm $0x7FFFFFFF  }
0x3b: {  	_ =	shalt  }
tec
execute0_lowered:
.L_overlay_start_1:
0x0: {  	(tag) =	ssettag $0x1  }
0x1: {  	s0 =	srdreg.scid  }
0x2: {  	s1 =	sshll.u32 s0, $0x4  }
0x3: {  	s0 =	stileid.u32;
	s1 =	sand.u32 $0x10, s1  }
0x4: {  	s1 =	sor.u32 s0, s1  }
0x5: {  	s6 =	rddreg [dreg:$0x0];
	s4 =	simm.s32 $0x1;
	s2 =	sshll.u32 s1, $0x7  }
0x6: {  	s7 =	simm.s32 $0x2;
	s12 =	simm.s32 $0x0;
	s1 =	ssub.s32 $0x1000, s2  }
0x7: {  	s8 =	simm.s32 $0x8000;
	s13 =	simm.s32 $0x0;
	s3 =	sand.u32 $0xF80, s1  }
0x8: {  	s9 =	simm.s32 $0x0;
	s5 =	sshrl.u32 s1, $0xC;
	p0 =	sne.s32 s3, $0x0  }
.Ltmp0:
0x9: {  	s1 =	rddreg [dreg:$0x2];
	s4 =	simm.s32 @!p0 $0x0;
	(pc) =	sbr.rel .LBB1_1-.Ltmp0, $4  }
0xa: {  	s11 =	simm.s32 $0x0;
	s3 =	rddreg [dreg:$0x1];
	s5 =	sadd.s32 s4, s5  }
0xb: {  	_ =	strace $0x8000004A;
	s4 =	simm.s32 $0x1;
	s5 =	smul.u32 $0xC8, s5  }
0xc: {  	s6 =	sadd.s32 $0x800, s6;
	s10 =	smov.u32 s2;
	[sflag:s4] =	ssyncpa.u1 $0x0  }
0xd: {  	p0 =	por $0x0, $0x0;
	[sflag:s7] =	ssyncpa.u1 $0x0;
	s7 =	sor.u32 $0x1, s5  }
.LBB1_4:
0xe: {  	s16 =	sshll.u32 s13, $0x3;
	s17 =	sand.u32 $0x78, s13  }
0xf: {  	s30 =	sand.u32 $0x3E00, s13;
	s12 =	sshll.u32 s12, $0xE;
	s16 =	sand.u32 $0xC00, s16  }
0x10: {  	s31 =	sand.u32 $0x7, s13;
	s16 =	sor.u32 s17, s16;
	s17 =	sadd.s32 s3, s30  }
0x11: {  	s13 =	sshll.u32 s31, $0x12;
	s16 =	sshrl.u32 s16, $0x3;
	s12 =	sadd.s32 s12, s17  }
0x12: {  	[tilespmem:s15+$0x0 ss:$0x81] =	vst.msk $0xffff, v0;
	s13 =	sor.u32 $0x400, s13;
	s12 =	sadd.s32 s16, s12  }
0x13: {  	[hbm4b:s12+s13] =	stream.strided.scatter [tilespmem:s14], [sflag:$0x2], $0x1000, s8, s13, $0x20;
	[tilespmem:$0x4040] =	vst v63  }
.LBB1_5:
0x14: {  	s14 =	sadd.s32 $0x1, s9  }
0x15: {  	s12 =	sadd.s32 $0x1000, s10;
	s16 =	smov.u32 s10;
	p2 =	sgt.s32 s14, $0xC7  }
0x16: {  	s16 =	smov.u32 @p2 s12  }
0x17: {  	s14 =	simm.s32 @p2 $0x0;
	p2 =	sgt.s32 s16, $0xFFF  }
0x18: {  	s16 =	smov.u32 @p2 s2;
	p2 =	sne.s32 s11, s7  }
.Ltmp1:
0x19: {  	p1 =	slt.u32 s11, $0x2;
	(pc) =	sbr.rel @!p2 .LBB1_6-.Ltmp1, $4  }
0x1a: {  	s15 =	simm.s32 @!p1 $0x2  }
0x1b: {  	s13 =	smov.u32 s10;
	p0 =	por !p0, !p0;
	_ =	swait.ge @!p1 [sflag:s15], $0x1000  }
0x1c: {  	s12 =	smov.u32 s9;
	[sflag:s15] =	ssyncset.done @!p1 $0x0;
	s9 =	smov.u32 s14  }
0x1d: {  	s11 =	sadd.s32 $0x1, s11;
	[sflag:s15] =	ssyncadd.s32 @!p1 $0xFFFFF000;
	s10 =	smov.u32 s16  }
.LBB1_1:
0x1e: {  	p1 =	sge.u32 s11, s5  }
0x1f: {  	s14 =	sand.u32 @!p1 $0x1FFFFFF, s9  }
0x20: {  	s15 =	smulhi.u32 @!p1 $0x147AE15, s14;
	_ =	sdelay $0x1  }
0x21: {  	s15 =	smul.u32 @!p1 $0xC8, s15  }
0x22: {  	s16 =	sxor.u32 @!p1 $0xFFFFFFFF, s11;
	s17 =	smul.u32 @!p1 $0xC80, s10  }
0x23: {  	s31 =	sadd.s32 $0xFFFFFFFF, s11;
	s16 =	sshll.u32 @!p1 s16, $0xC;
	s14 =	ssub.s32 @!p1 s14, s15  }
0x24: {  	s15 =	sand.u32 @!p1 $0x1000, s16;
	s16 =	sadd.s32 @!p1 s6, s17;
	s14 =	sshll.u32 @!p1 s14, $0x4  }
0x25: {  	s17 =	simm.s32 @!p1 $0x6400;
	s14 =	sadd.s32 @!p1 s14, s16;
	s16 =	simm.s32 @!p1 $0x20  }
0x26: {  	[tilespmem:s15], [sflag:$0x1] =	stream.strided.gather @!p1 [hbm4b:s14+s16], $0x1000, s17, s16, $0x38;
	[tilespmem:$0x4040] =	vst v63  }
0x27: {  	p1 =	sge.u32 s31, s5  }
.Ltmp2:
0x28: {  	_ = 	snop;
	(pc) =	sbr.rel @p1 .LBB1_5-.Ltmp2, $1  }
0x29: {  	_ =	sdelay $0x3  }
0x2a: {  	s14 =	simm.s32 $0x1  }
0x2b: {  	_ =	swait.ge [sflag:s4], $0x1000;
	s14 =	simm.s32 @!p0 $0x0  }
0x2c: {  	[sflag:s4] =	ssyncset.done $0x0;
	s15 =	sshll.u32 s14, $0xC  }
0x2d: {  	[sflag:s4] =	ssyncadd.s32 $0xFFFFF000;
	s18 =	sor.u32 $0x10, s15  }
0x2e: {  	s14 =	smul.u32 $0x4080, s14;
	v1 =	vld [tilespmem:s18+$0x0]  }
0x2f: {  	s30 =	sand.u32 $0x1, s11;
	v0 =	vld [tilespmem:s18+$0xFFFFFFF0]  }
0x30: {  	s15 =	smul.u32 $0x4080, s30;
	s14 =	sshrl.u32 s14, $0x2  }
0x31: {  	s16 =	sor.u32 $0x2000, s14  }
0x32: {  	s31 =	sshrl.u32 s15, $0x2;
	s15 =	sadd.s32 $0x0, s16  }
0x33: {  	s17 =	simm.s32 $0x4;
	s18 =	sadd.s32 $0x20, s18;
	s14 =	sor.u32 $0x2000, s31;
	[tilespmem:s15+$0x810 ss:$0x81] =	vst.msk $0xffff, v1  }
.LBB1_3:
0x34: {  	v1 =	vld [tilespmem:s18+$0x0];
	p1 =	sne.s32 s17, $0x1FC;
	[tilespmem:s15+$0x0 ss:$0x81] =	vst.msk $0xffff, v0;
	s15 =	smov.u32 s17;
	s17 =	sadd.s32 $0x4, s17  }
.Ltmp3:
0x35: {  	v0 =	vld [tilespmem:s18+$0xFFFFFFF0];
	(pc) =	sbr.rel @p1 .LBB1_3-.Ltmp3, $4  }
0x36: {  	_ = 	snop  }
0x37: {  	s15 =	sshra.s32 s15, $0x2  }
0x38: {  	s15 =	sadd.s32 s15, s16  }
0x39: {  	s18 =	sadd.s32 $0x20, s18;
	[tilespmem:s15+$0x810 ss:$0x81] =	vst.msk $0xffff, v1  }
.Ltmp4:
0x3a: {  	_ = 	snop;
	(pc) =	sbr.rel .LBB1_4-.Ltmp4, $1  }
0x3b: {  	_ =	sdelay $0x3  }
.LBB1_6:
0x3c: {  	_ =	sfence.sel $0x180000  }
0x3d: {  	s2 =	simm.s32 $0x1;
	[bflag:$0x0] =	sbarrier.arrive $0xFFFF  }
0x3e: {  	s31 =	simm.s32 $0x2;
	[sflag:s2] =	ssyncpa.u1 $0x1  }
0x3f: {  	[sflag:s31] =	ssyncpa.u1 $0x1  }
0x40: {  	p0 =	sne.s32 s0, $0x0;
	_ =	strace $0x9000004A  }
0x41: {  	s0 =	sadd.s32 @!p0 $0x100000, s1;
	[bflag:$0x2] =	sbarrier.arrive $0xFFFF  }
0x42: {  	[sflag:s0] =	ssyncadd.tile.s32 @!p0 $0x1;
	_ =	shalt  }
.Lfunc_end1:
_tile_overlayer_lowered:
.L_overlay_start_2:
0x43: {  	(tag) =	ssettag $0x2  }
0x44: {  	s0 =	rddreg [dreg:$0x0];
	s2 =	stileid.u32  }
0x45: {  	s1 =	rddreg [dreg:$0x1];
	p0 =	sne.s32 s2, $0x0  }
0x46: {  	s3 =	rddreg [dreg:$0x2];
	[bflag:$0x3] =	sbarrier.arrive $0xFFFF;
	s2 =	simm.s32 @!p0 $0x1C01  }
0x47: {  	[timem:s3], [sflag:s2] =	dma.local @!p0 [hbm:s0], s1  }
0x48: {  	s0 =	simm.s32 @!p0 $0x1  }
0x49: {  	_ =	swait.ge @!p0 [sflag:s0], s1  }
0x4a: {  	s1 =	ssub.s32 @!p0 $0x0, s1;
	[sflag:s0] =	ssyncset.done @!p0 $0x0  }
0x4b: {  	[sflag:s0] =	ssyncadd.s32 @!p0 s1  }
0x4c: {  	[bflag:$0x3] =	sbarrier.arrive $0xFFFF  }
0x4d: {  	_ =	shalt  }

</sc_bundles>
